<compile_context>
chip_gen: v7x
topology: tpu7x:2x2x1
jax: 0.10.2.dev20260603
libtpu: 0.0.44.dev20260713+nightly
codegen_flags: <defaults>
</compile_context>

<pallas_src>
import jax
import jax.numpy as jnp
from jax import lax
from jax.experimental import pallas as pl
from jax.experimental.pallas import tpu as pltpu
from jax.experimental.pallas import tpu_sc as plsc

K_ANCHORS = 2048
DIM = 1024
QN = 32
KB = 512
GRID = K_ANCHORS // KB


def _knn_block(q_ref, a_ref, lab_ref, bmin_ref, blab_ref, qh_ref, qr_ref):
    pid = pl.program_id(0)

    @pl.when(pid == 0)
    def _init():
        qlt = jnp.log(q_ref[...] + 1e-10).T
        qh = qlt.astype(jnp.bfloat16)
        qh_ref[...] = qh
        qr_ref[...] = (qlt - qh.astype(jnp.float32)).astype(jnp.bfloat16)

    a = a_ref[...]
    al = jnp.log(a + 1e-10)
    csum = jnp.sum(a * al, axis=1, keepdims=True)
    ah = a.astype(jnp.bfloat16)
    ar = (a - ah.astype(jnp.float32)).astype(jnp.bfloat16)
    qh = qh_ref[...]
    m = (jnp.dot(ah, qh, preferred_element_type=jnp.float32)
         + jnp.dot(ah, qr_ref[...], preferred_element_type=jnp.float32)
         + jnp.dot(ar, qh, preferred_element_type=jnp.float32))
    d = csum - m
    bmin = jnp.min(d, axis=0, keepdims=True)
    iota = jax.lax.broadcasted_iota(jnp.int32, (KB, QN), 0)
    lidx = jnp.min(jnp.where(d == bmin, iota, KB), axis=0,
                   keepdims=True)
    blab = jnp.sum(jnp.where(iota == lidx, lab_ref[...], 0), axis=0,
                   keepdims=True)
    bmin_ref[...] = bmin.reshape(1, 1, QN)
    blab_ref[...] = blab.reshape(1, 1, QN)


def _sc_merge(bmin_hbm, blab_hbm, out_hbm, bmin_v, blab_v, out_v):
    cid = lax.axis_index("c")
    sid = lax.axis_index("s")

    @pl.when((cid == 0) & (sid == 0))
    def _run():
        pltpu.sync_copy(bmin_hbm, bmin_v)
        pltpu.sync_copy(blab_hbm, blab_v)
        for h in range(QN // 16):
            cur = bmin_v[0, 0, pl.ds(h * 16, 16)]
            curl = blab_v[0, 0, pl.ds(h * 16, 16)]
            for r in range(1, GRID):
                v = bmin_v[r, 0, pl.ds(h * 16, 16)]
                lt = v < cur
                cur = jnp.where(lt, v, cur)
                curl = jnp.where(lt, blab_v[r, 0, pl.ds(h * 16, 16)], curl)
            out_v[pl.ds(h * 16, 16)] = curl
        pltpu.sync_copy(out_v, out_hbm)


def kernel(query, queue_anchor, queue_anchor_log, queue_label):
    del queue_anchor_log
    lab2d = queue_label.reshape(K_ANCHORS, 1).astype(jnp.int32)
    bmin3, blab3 = pl.pallas_call(
        _knn_block,
        grid=(GRID,),
        in_specs=[
            pl.BlockSpec((QN, DIM), lambda i: (0, 0)),
            pl.BlockSpec((KB, DIM), lambda i: (i, 0)),
            pl.BlockSpec((KB, 1), lambda i: (i, 0)),
        ],
        out_specs=[
            pl.BlockSpec((1, 1, QN), lambda i: (i, 0, 0)),
            pl.BlockSpec((1, 1, QN), lambda i: (i, 0, 0)),
        ],
        out_shape=[
            jax.ShapeDtypeStruct((GRID, 1, QN), jnp.float32),
            jax.ShapeDtypeStruct((GRID, 1, QN), jnp.int32),
        ],
        scratch_shapes=[
            pltpu.VMEM((DIM, QN), jnp.bfloat16),
            pltpu.VMEM((DIM, QN), jnp.bfloat16),
        ],
    )(query, queue_anchor, lab2d)

    mesh = plsc.VectorSubcoreMesh(core_axis_name="c", subcore_axis_name="s")
    sc = pl.kernel(
        _sc_merge,
        mesh=mesh,
        out_type=jax.ShapeDtypeStruct((QN,), jnp.int32),
        scratch_types=[
            pltpu.VMEM((GRID, 1, QN), jnp.float32),
            pltpu.VMEM((GRID, 1, QN), jnp.int32),
            pltpu.VMEM((QN,), jnp.int32),
        ],
    )
    return sc(bmin3, blab3)

# --- scband reference (transcript-rebuilt; emitter-appended) ---
"""Pipeline reference for scband-anchor-store-opt-v1-53102975647800 (READ-ONLY COPY).

The authoritative reference and input builder live on the scoring server;
editing this copy changes nothing except your own understanding.
"""

import jax, jax.numpy as jnp
import numpy as np

K_ANCHORS = 2048
DIM = 1024
Q = 32
N_CLASS = 2


def setup_inputs(seed: int = 0) -> dict:
    key = jax.random.key(seed)
    k1, k2, k3 = jax.random.split(key, 3)
    # queue_anchor: positive distribution-like values (filled buffer, ptr == K)
    queue_anchor = jax.random.uniform(k1, (K_ANCHORS, DIM), dtype=jnp.float32)
    # pre-computed log(k_i) exactly as enqueue() does
    queue_anchor_log = jnp.log(queue_anchor + 1e-10)
    queue_label = jax.random.randint(k2, (K_ANCHORS,), 0, N_CLASS)
    query = jax.random.uniform(k3, (Q, DIM), dtype=jnp.float32)
    return {
        "query": query,
        "queue_anchor": queue_anchor,
        "queue_anchor_log": queue_anchor_log,
        "queue_label": queue_label,
    }


def reference(query, queue_anchor, queue_anchor_log, queue_label):
    # knn_infer with knn == 1, full queue (ptr == K)
    query_log = jnp.log(query + 1e-10)
    # KL-like distance: mean over dim of k * (log k - log q)
    kl_distance = jnp.mean(
        queue_anchor[None, :, :] * (queue_anchor_log[None, :, :] - query_log[:, None, :]),
        axis=2,
    )
    nearest = jnp.argmin(kl_distance, axis=1)
    labels = jnp.take(queue_label, nearest, axis=0)
    return labels

if __name__ == "__main__":
    import jax
    _d = setup_inputs()
    print(jax.jit(kernel)(*tuple(_d.values())))

</pallas_src>

<mosaic_0001>
#map = affine_map<(d0, d1) -> (0, 0, 0)>
#map1 = affine_map<(d0, d1) -> (0)>
module attributes {stable_mosaic.version = 14 : i64} {
  func.func @_sc_merge(%arg0: i32, %arg1: i32, %arg2: memref<4x1x32xf32, #tpu.memory_space<hbm>>, %arg3: memref<4x1x32xi32, #tpu.memory_space<hbm>>, %arg4: memref<32xi32, #tpu.memory_space<hbm>>, %arg5: memref<4x1x32xf32, #tpu.memory_space<vmem>>, %arg6: memref<4x1x32xi32, #tpu.memory_space<vmem>>, %arg7: memref<32xi32, #tpu.memory_space<vmem>>) attributes {dimension_semantics = [#tpu.dimension_semantics<core_parallel>, #tpu.dimension_semantics<subcore_parallel>], iteration_bounds = array<i64: 2, 16>, scalar_prefetch = 0 : i64, scratch_operands = 3 : i64, tpu.core_type = #tpu.core_type<sc_vector_subcore>, window_params = [{transform_indices = #map}, {transform_indices = #map}, {transform_indices = #map1}]} {
    %eq3A = arith.constant 0 : i32
    %eq3A_0 = arith.cmpi eq, %arg0, %eq3A : i32
    %eq3A_1 = arith.constant 0 : i32
    %eq3A_2 = arith.cmpi eq, %arg1, %eq3A_1 : i32
    %and3A = arith.andi %eq3A_0, %eq3A_2 : i1
    %convert_element_type3A = arith.extui %and3A : i1 to i32
    %cond3A = arith.constant 0 : i32
    %cond3A_3 = arith.cmpi ne, %convert_element_type3A, %cond3A : i32
    scf.if %cond3A_3 {
      "tpu.region"() ({
        %run_scoped3A = tpu.sem_alloc : memref<!tpu.dma_semaphore, #tpu.memory_space<semaphore_mem>>
        tpu.enqueue_dma source(%arg2 : memref<4x1x32xf32, #tpu.memory_space<hbm>>) target(%arg5 : memref<4x1x32xf32, #tpu.memory_space<vmem>>) target_semaphore(%run_scoped3A : memref<!tpu.dma_semaphore, #tpu.memory_space<semaphore_mem>>)
        tpu.wait_dma2 semaphore(%run_scoped3A : memref<!tpu.dma_semaphore, #tpu.memory_space<semaphore_mem>>) src(%arg2 : memref<4x1x32xf32, #tpu.memory_space<hbm>>) dst(%arg5 : memref<4x1x32xf32, #tpu.memory_space<vmem>>)
        tpu.yield
      }) : () -> ()
      "tpu.region"() ({
        %run_scoped3A = tpu.sem_alloc : memref<!tpu.dma_semaphore, #tpu.memory_space<semaphore_mem>>
        tpu.enqueue_dma source(%arg3 : memref<4x1x32xi32, #tpu.memory_space<hbm>>) target(%arg6 : memref<4x1x32xi32, #tpu.memory_space<vmem>>) target_semaphore(%run_scoped3A : memref<!tpu.dma_semaphore, #tpu.memory_space<semaphore_mem>>)
        tpu.wait_dma2 semaphore(%run_scoped3A : memref<!tpu.dma_semaphore, #tpu.memory_space<semaphore_mem>>) src(%arg3 : memref<4x1x32xi32, #tpu.memory_space<hbm>>) dst(%arg6 : memref<4x1x32xi32, #tpu.memory_space<vmem>>)
        tpu.yield
      }) : () -> ()
      %get3A = arith.constant 0 : i32
      %get3A_4 = arith.constant 0 : i32
      %get3A_5 = arith.index_cast %get3A : i32 to index
      %get3A_6 = arith.index_cast %get3A_4 : i32 to index
      %get3A_7 = arith.constant 0 : index
      %get3A_8 = tpu.vector_load %arg5[%get3A_5, %get3A_6, %get3A_7] {strides = array<i32>} : memref<4x1x32xf32, #tpu.memory_space<vmem>>, vector<1x1x16xf32>,
      %get3A_9 = vector.shape_cast %get3A_8 : vector<1x1x16xf32> to vector<16xf32>
      %get3A_10 = arith.constant 0 : i32
      %get3A_11 = arith.constant 0 : i32
      %get3A_12 = arith.index_cast %get3A_10 : i32 to index
      %get3A_13 = arith.index_cast %get3A_11 : i32 to index
      %get3A_14 = arith.constant 0 : index
      %get3A_15 = tpu.vector_load %arg6[%get3A_12, %get3A_13, %get3A_14] {strides = array<i32>} : memref<4x1x32xi32, #tpu.memory_space<vmem>>, vector<1x1x16xi32>,
      %get3A_16 = vector.shape_cast %get3A_15 : vector<1x1x16xi32> to vector<16xi32>
      %get3A_17 = arith.constant 1 : i32
      %get3A_18 = arith.constant 0 : i32
      %get3A_19 = arith.index_cast %get3A_17 : i32 to index
      %get3A_20 = arith.index_cast %get3A_18 : i32 to index
      %get3A_21 = arith.constant 0 : index
      %get3A_22 = tpu.vector_load %arg5[%get3A_19, %get3A_20, %get3A_21] {strides = array<i32>} : memref<4x1x32xf32, #tpu.memory_space<vmem>>, vector<1x1x16xf32>,
      %get3A_23 = vector.shape_cast %get3A_22 : vector<1x1x16xf32> to vector<16xf32>
      %lt3A = arith.cmpf olt, %get3A_23, %get3A_9 : vector<16xf32>
      %select_n3A = arith.select %lt3A, %get3A_23, %get3A_9 : vector<16xi1>, vector<16xf32>
      %get3A_24 = arith.constant 1 : i32
      %get3A_25 = arith.constant 0 : i32
      %get3A_26 = arith.index_cast %get3A_24 : i32 to index
      %get3A_27 = arith.index_cast %get3A_25 : i32 to index
      %get3A_28 = arith.constant 0 : index
      %get3A_29 = tpu.vector_load %arg6[%get3A_26, %get3A_27, %get3A_28] {strides = array<i32>} : memref<4x1x32xi32, #tpu.memory_space<vmem>>, vector<1x1x16xi32>,
      %get3A_30 = vector.shape_cast %get3A_29 : vector<1x1x16xi32> to vector<16xi32>
      %select_n3A_31 = arith.select %lt3A, %get3A_30, %get3A_16 : vector<16xi1>, vector<16xi32>
      %get3A_32 = arith.constant 2 : i32
      %get3A_33 = arith.constant 0 : i32
      %get3A_34 = arith.index_cast %get3A_32 : i32 to index
      %get3A_35 = arith.index_cast %get3A_33 : i32 to index
      %get3A_36 = arith.constant 0 : index
      %get3A_37 = tpu.vector_load %arg5[%get3A_34, %get3A_35, %get3A_36] {strides = array<i32>} : memref<4x1x32xf32, #tpu.memory_space<vmem>>, vector<1x1x16xf32>,
      %get3A_38 = vector.shape_cast %get3A_37 : vector<1x1x16xf32> to vector<16xf32>
      %lt3A_39 = arith.cmpf olt, %get3A_38, %select_n3A : vector<16xf32>
      %select_n3A_40 = arith.select %lt3A_39, %get3A_38, %select_n3A : vector<16xi1>, vector<16xf32>
      %get3A_41 = arith.constant 2 : i32
      %get3A_42 = arith.constant 0 : i32
      %get3A_43 = arith.index_cast %get3A_41 : i32 to index
      %get3A_44 = arith.index_cast %get3A_42 : i32 to index
      %get3A_45 = arith.constant 0 : index
      %get3A_46 = tpu.vector_load %arg6[%get3A_43, %get3A_44, %get3A_45] {strides = array<i32>} : memref<4x1x32xi32, #tpu.memory_space<vmem>>, vector<1x1x16xi32>,
      %get3A_47 = vector.shape_cast %get3A_46 : vector<1x1x16xi32> to vector<16xi32>
      %select_n3A_48 = arith.select %lt3A_39, %get3A_47, %select_n3A_31 : vector<16xi1>, vector<16xi32>
      %get3A_49 = arith.constant 3 : i32
      %get3A_50 = arith.constant 0 : i32
      %get3A_51 = arith.index_cast %get3A_49 : i32 to index
      %get3A_52 = arith.index_cast %get3A_50 : i32 to index
      %get3A_53 = arith.constant 0 : index
      %get3A_54 = tpu.vector_load %arg5[%get3A_51, %get3A_52, %get3A_53] {strides = array<i32>} : memref<4x1x32xf32, #tpu.memory_space<vmem>>, vector<1x1x16xf32>,
      %get3A_55 = vector.shape_cast %get3A_54 : vector<1x1x16xf32> to vector<16xf32>
      %lt3A_56 = arith.cmpf olt, %get3A_55, %select_n3A_40 : vector<16xf32>
      %select_n3A_57 = arith.select %lt3A_56, %get3A_55, %select_n3A_40 : vector<16xi1>, vector<16xf32>
      %get3A_58 = arith.constant 3 : i32
      %get3A_59 = arith.constant 0 : i32
      %get3A_60 = arith.index_cast %get3A_58 : i32 to index
      %get3A_61 = arith.index_cast %get3A_59 : i32 to index
      %get3A_62 = arith.constant 0 : index
      %get3A_63 = tpu.vector_load %arg6[%get3A_60, %get3A_61, %get3A_62] {strides = array<i32>} : memref<4x1x32xi32, #tpu.memory_space<vmem>>, vector<1x1x16xi32>,
      %get3A_64 = vector.shape_cast %get3A_63 : vector<1x1x16xi32> to vector<16xi32>
      %select_n3A_65 = arith.select %lt3A_56, %get3A_64, %select_n3A_48 : vector<16xi1>, vector<16xi32>
      %swap3A = arith.constant 0 : index
      %swap3A_66 = tpu.vector_load %arg7[%swap3A] {strides = array<i32>} : memref<32xi32, #tpu.memory_space<vmem>>, vector<16xi32>,
      %swap3A_67 = vector.shape_cast %swap3A_66 : vector<16xi32> to vector<16xi32>
      %swap3A_68 = vector.shape_cast %select_n3A_65 : vector<16xi32> to vector<16xi32>
      tpu.vector_store %arg7[%swap3A], %swap3A_68 {strides = array<i32>} : memref<32xi32, #tpu.memory_space<vmem>>, vector<16xi32>,
      %get3A_69 = arith.constant 0 : i32
      %get3A_70 = arith.constant 0 : i32
      %get3A_71 = arith.index_cast %get3A_69 : i32 to index
      %get3A_72 = arith.index_cast %get3A_70 : i32 to index
      %get3A_73 = arith.constant 16 : index
      %get3A_74 = tpu.vector_load %arg5[%get3A_71, %get3A_72, %get3A_73] {strides = array<i32>} : memref<4x1x32xf32, #tpu.memory_space<vmem>>, vector<1x1x16xf32>,
      %get3A_75 = vector.shape_cast %get3A_74 : vector<1x1x16xf32> to vector<16xf32>
      %get3A_76 = arith.constant 0 : i32
      %get3A_77 = arith.constant 0 : i32
      %get3A_78 = arith.index_cast %get3A_76 : i32 to index
      %get3A_79 = arith.index_cast %get3A_77 : i32 to index
      %get3A_80 = arith.constant 16 : index
      %get3A_81 = tpu.vector_load %arg6[%get3A_78, %get3A_79, %get3A_80] {strides = array<i32>} : memref<4x1x32xi32, #tpu.memory_space<vmem>>, vector<1x1x16xi32>,
      %get3A_82 = vector.shape_cast %get3A_81 : vector<1x1x16xi32> to vector<16xi32>
      %get3A_83 = arith.constant 1 : i32
      %get3A_84 = arith.constant 0 : i32
      %get3A_85 = arith.index_cast %get3A_83 : i32 to index
      %get3A_86 = arith.index_cast %get3A_84 : i32 to index
      %get3A_87 = arith.constant 16 : index
      %get3A_88 = tpu.vector_load %arg5[%get3A_85, %get3A_86, %get3A_87] {strides = array<i32>} : memref<4x1x32xf32, #tpu.memory_space<vmem>>, vector<1x1x16xf32>,
      %get3A_89 = vector.shape_cast %get3A_88 : vector<1x1x16xf32> to vector<16xf32>
      %lt3A_90 = arith.cmpf olt, %get3A_89, %get3A_75 : vector<16xf32>
      %select_n3A_91 = arith.select %lt3A_90, %get3A_89, %get3A_75 : vector<16xi1>, vector<16xf32>
      %get3A_92 = arith.constant 1 : i32
      %get3A_93 = arith.constant 0 : i32
      %get3A_94 = arith.index_cast %get3A_92 : i32 to index
      %get3A_95 = arith.index_cast %get3A_93 : i32 to index
      %get3A_96 = arith.constant 16 : index
      %get3A_97 = tpu.vector_load %arg6[%get3A_94, %get3A_95, %get3A_96] {strides = array<i32>} : memref<4x1x32xi32, #tpu.memory_space<vmem>>, vector<1x1x16xi32>,
      %get3A_98 = vector.shape_cast %get3A_97 : vector<1x1x16xi32> to vector<16xi32>
      %select_n3A_99 = arith.select %lt3A_90, %get3A_98, %get3A_82 : vector<16xi1>, vector<16xi32>
      %get3A_100 = arith.constant 2 : i32
      %get3A_101 = arith.constant 0 : i32
      %get3A_102 = arith.index_cast %get3A_100 : i32 to index
      %get3A_103 = arith.index_cast %get3A_101 : i32 to index
      %get3A_104 = arith.constant 16 : index
      %get3A_105 = tpu.vector_load %arg5[%get3A_102, %get3A_103, %get3A_104] {strides = array<i32>} : memref<4x1x32xf32, #tpu.memory_space<vmem>>, vector<1x1x16xf32>,
      %get3A_106 = vector.shape_cast %get3A_105 : vector<1x1x16xf32> to vector<16xf32>
      %lt3A_107 = arith.cmpf olt, %get3A_106, %select_n3A_91 : vector<16xf32>
      %select_n3A_108 = arith.select %lt3A_107, %get3A_106, %select_n3A_91 : vector<16xi1>, vector<16xf32>
      %get3A_109 = arith.constant 2 : i32
      %get3A_110 = arith.constant 0 : i32
      %get3A_111 = arith.index_cast %get3A_109 : i32 to index
      %get3A_112 = arith.index_cast %get3A_110 : i32 to index
      %get3A_113 = arith.constant 16 : index
      %get3A_114 = tpu.vector_load %arg6[%get3A_111, %get3A_112, %get3A_113] {strides = array<i32>} : memref<4x1x32xi32, #tpu.memory_space<vmem>>, vector<1x1x16xi32>,
      %get3A_115 = vector.shape_cast %get3A_114 : vector<1x1x16xi32> to vector<16xi32>
      %select_n3A_116 = arith.select %lt3A_107, %get3A_115, %select_n3A_99 : vector<16xi1>, vector<16xi32>
      %get3A_117 = arith.constant 3 : i32
      %get3A_118 = arith.constant 0 : i32
      %get3A_119 = arith.index_cast %get3A_117 : i32 to index
      %get3A_120 = arith.index_cast %get3A_118 : i32 to index
      %get3A_121 = arith.constant 16 : index
      %get3A_122 = tpu.vector_load %arg5[%get3A_119, %get3A_120, %get3A_121] {strides = array<i32>} : memref<4x1x32xf32, #tpu.memory_space<vmem>>, vector<1x1x16xf32>,
      %get3A_123 = vector.shape_cast %get3A_122 : vector<1x1x16xf32> to vector<16xf32>
      %lt3A_124 = arith.cmpf olt, %get3A_123, %select_n3A_108 : vector<16xf32>
      %select_n3A_125 = arith.select %lt3A_124, %get3A_123, %select_n3A_108 : vector<16xi1>, vector<16xf32>
      %get3A_126 = arith.constant 3 : i32
      %get3A_127 = arith.constant 0 : i32
      %get3A_128 = arith.index_cast %get3A_126 : i32 to index
      %get3A_129 = arith.index_cast %get3A_127 : i32 to index
      %get3A_130 = arith.constant 16 : index
      %get3A_131 = tpu.vector_load %arg6[%get3A_128, %get3A_129, %get3A_130] {strides = array<i32>} : memref<4x1x32xi32, #tpu.memory_space<vmem>>, vector<1x1x16xi32>,
      %get3A_132 = vector.shape_cast %get3A_131 : vector<1x1x16xi32> to vector<16xi32>
      %select_n3A_133 = arith.select %lt3A_124, %get3A_132, %select_n3A_116 : vector<16xi1>, vector<16xi32>
      %swap3A_134 = arith.constant 16 : index
      %swap3A_135 = tpu.vector_load %arg7[%swap3A_134] {strides = array<i32>} : memref<32xi32, #tpu.memory_space<vmem>>, vector<16xi32>,
      %swap3A_136 = vector.shape_cast %swap3A_135 : vector<16xi32> to vector<16xi32>
      %swap3A_137 = vector.shape_cast %select_n3A_133 : vector<16xi32> to vector<16xi32>
      tpu.vector_store %arg7[%swap3A_134], %swap3A_137 {strides = array<i32>} : memref<32xi32, #tpu.memory_space<vmem>>, vector<16xi32>,
      "tpu.region"() ({
        %run_scoped3A = tpu.sem_alloc : memref<!tpu.dma_semaphore, #tpu.memory_space<semaphore_mem>>
        tpu.enqueue_dma source(%arg7 : memref<32xi32, #tpu.memory_space<vmem>>) target(%arg4 : memref<32xi32, #tpu.memory_space<hbm>>) target_semaphore(%run_scoped3A : memref<!tpu.dma_semaphore, #tpu.memory_space<semaphore_mem>>)
        tpu.wait_dma2 semaphore(%run_scoped3A : memref<!tpu.dma_semaphore, #tpu.memory_space<semaphore_mem>>) src(%arg7 : memref<32xi32, #tpu.memory_space<vmem>>) dst(%arg4 : memref<32xi32, #tpu.memory_space<hbm>>)
        tpu.yield
      }) : () -> ()
    } else {
    }
    return
  }
}

module attributes {stable_mosaic.version = 14 : i64} {
  func.func @_knn_block(%arg0: i32, %arg1: memref<32x1024xf32, #tpu.memory_space<vmem>>, %arg2: memref<512x1024xf32, #tpu.memory_space<vmem>>, %arg3: memref<512x1xi32, #tpu.memory_space<vmem>>, %arg4: memref<1x1x32xf32, #tpu.memory_space<vmem>>, %arg5: memref<1x1x32xi32, #tpu.memory_space<vmem>>, %arg6: memref<1024x32xbf16, #tpu.memory_space<vmem>>, %arg7: memref<1024x32xbf16, #tpu.memory_space<vmem>>) attributes {dimension_semantics = [#tpu.dimension_semantics<arbitrary>], iteration_bounds = array<i64: 4>, scalar_prefetch = 0 : i64, scratch_operands = 2 : i64, tpu.core_type = #tpu.core_type<tc>, window_params = [{pipeline_mode = #tpu.pipeline_mode<synchronous>, transform_indices = @transform_0, window_bounds = array<i64: 32, 1024>}, {transform_indices = @transform_1, window_bounds = array<i64: 512, 1024>}, {transform_indices = @transform_2, window_bounds = array<i64: 512, 1>}, {transform_indices = @transform_3, window_bounds = array<i64: 1, 1, 32>}, {transform_indices = @transform_4, window_bounds = array<i64: 1, 1, 32>}]} {
    %eq3A = arith.constant 0 : i32
    %eq3A_0 = arith.cmpi eq, %arg0, %eq3A : i32
    %convert_element_type3A = arith.extui %eq3A_0 : i1 to i32
    %cond3A = arith.constant 0 : i32
    %cond3A_1 = arith.cmpi ne, %convert_element_type3A, %cond3A : i32
    scf.if %cond3A_1 {
      %get3A_54 = arith.constant 0 : index
      %get3A_55 = arith.constant 0 : index
      %get3A_56 = vector.load %arg1[%get3A_54, %get3A_55] : memref<32x1024xf32, #tpu.memory_space<vmem>>, vector<32x1024xf32>
      %add3A_57 = arith.constant 1.000000e-10 : f32
      %add3A_58 = vector.broadcast %add3A_57 : f32 to vector<32x1024xf32>
      %add3A_59 = arith.addf %get3A_56, %add3A_58 : vector<32x1024xf32>
      %log3A_60 = math.log %add3A_59 : vector<32x1024xf32>
      %transpose3A = tpu.transpose %log3A_60, [1, 0] : vector<32x1024xf32> -> vector<1024x32xf32>
      %convert_element_type3A_61 = arith.truncf %transpose3A : vector<1024x32xf32> to vector<1024x32xbf16>
      %swap3A_62 = arith.constant 0 : index
      %swap3A_63 = arith.constant 0 : index
      %swap3A_64 = vector.load %arg6[%swap3A_62, %swap3A_63] : memref<1024x32xbf16, #tpu.memory_space<vmem>>, vector<1024x32xbf16>
      tpu.vector_store %arg6[%swap3A_62, %swap3A_63], %convert_element_type3A_61 {strides = array<i32>} : memref<1024x32xbf16, #tpu.memory_space<vmem>>, vector<1024x32xbf16>,
      %convert_element_type3A_65 = arith.extf %convert_element_type3A_61 : vector<1024x32xbf16> to vector<1024x32xf32>
      %sub3A_66 = arith.subf %transpose3A, %convert_element_type3A_65 : vector<1024x32xf32>
      %convert_element_type3A_67 = arith.truncf %sub3A_66 : vector<1024x32xf32> to vector<1024x32xbf16>
      %swap3A_68 = arith.constant 0 : index
      %swap3A_69 = arith.constant 0 : index
      %swap3A_70 = vector.load %arg7[%swap3A_68, %swap3A_69] : memref<1024x32xbf16, #tpu.memory_space<vmem>>, vector<1024x32xbf16>
      tpu.vector_store %arg7[%swap3A_68, %swap3A_69], %convert_element_type3A_67 {strides = array<i32>} : memref<1024x32xbf16, #tpu.memory_space<vmem>>, vector<1024x32xbf16>,
    } else {
    }
    %get3A = arith.constant 0 : index
    %get3A_2 = arith.constant 0 : index
    %get3A_3 = vector.load %arg2[%get3A, %get3A_2] : memref<512x1024xf32, #tpu.memory_space<vmem>>, vector<512x1024xf32>
    %add3A = arith.constant 1.000000e-10 : f32
    %add3A_4 = vector.broadcast %add3A : f32 to vector<512x1024xf32>
    %add3A_5 = arith.addf %get3A_3, %add3A_4 : vector<512x1024xf32>
    %log3A = math.log %add3A_5 : vector<512x1024xf32>
    %mul3A = arith.mulf %get3A_3, %log3A : vector<512x1024xf32>
    %reduce_sum3A = arith.constant dense<0.000000e+00> : vector<512xf32>
    %reduce_sum3A_6 = vector.multi_reduction <add>, %mul3A, %reduce_sum3A [1] : vector<512x1024xf32> to vector<512xf32>
    %broadcast_in_dim3A = vector.shape_cast %reduce_sum3A_6 : vector<512xf32> to vector<512x1xf32>
    %convert_element_type3A_7 = arith.truncf %get3A_3 : vector<512x1024xf32> to vector<512x1024xbf16>
    %convert_element_type3A_8 = arith.extf %convert_element_type3A_7 : vector<512x1024xbf16> to vector<512x1024xf32>
    %sub3A = arith.subf %get3A_3, %convert_element_type3A_8 : vector<512x1024xf32>
    %convert_element_type3A_9 = arith.truncf %sub3A : vector<512x1024xf32> to vector<512x1024xbf16>
    %get3A_10 = arith.constant 0 : index
    %get3A_11 = arith.constant 0 : index
    %get3A_12 = vector.load %arg6[%get3A_10, %get3A_11] : memref<1024x32xbf16, #tpu.memory_space<vmem>>, vector<1024x32xbf16>
    %dot_general3A = arith.constant dense<0.000000e+00> : vector<512x32xf32>
    %dot_general3A_13 = tpu.matmul %convert_element_type3A_7, %get3A_12, %dot_general3A {dimension_numbers = #tpu.dot_dimension_numbers<[1], [0], [0], [1], [0, 0, 1, 1], [], []>, transpose_lhs_hint = false} : vector<512x1024xbf16>, vector<1024x32xbf16>, vector<512x32xf32> -> vector<512x32xf32>
    %get3A_14 = arith.constant 0 : index
    %get3A_15 = arith.constant 0 : index
    %get3A_16 = vector.load %arg7[%get3A_14, %get3A_15] : memref<1024x32xbf16, #tpu.memory_space<vmem>>, vector<1024x32xbf16>
    %dot_general3A_17 = arith.constant dense<0.000000e+00> : vector<512x32xf32>
    %dot_general3A_18 = tpu.matmul %convert_element_type3A_7, %get3A_16, %dot_general3A_17 {dimension_numbers = #tpu.dot_dimension_numbers<[1], [0], [0], [1], [0, 0, 1, 1], [], []>, transpose_lhs_hint = false} : vector<512x1024xbf16>, vector<1024x32xbf16>, vector<512x32xf32> -> vector<512x32xf32>
    %add3A_19 = arith.addf %dot_general3A_13, %dot_general3A_18 : vector<512x32xf32>
    %dot_general3A_20 = arith.constant dense<0.000000e+00> : vector<512x32xf32>
    %dot_general3A_21 = tpu.matmul %convert_element_type3A_9, %get3A_12, %dot_general3A_20 {dimension_numbers = #tpu.dot_dimension_numbers<[1], [0], [0], [1], [0, 0, 1, 1], [], []>, transpose_lhs_hint = false} : vector<512x1024xbf16>, vector<1024x32xbf16>, vector<512x32xf32> -> vector<512x32xf32>
    %add3A_22 = arith.addf %add3A_19, %dot_general3A_21 : vector<512x32xf32>
    %sub3A_23 = vector.broadcast %broadcast_in_dim3A : vector<512x1xf32> to vector<512x32xf32>
    %sub3A_24 = arith.subf %sub3A_23, %add3A_22 : vector<512x32xf32>
    %reduce_min3A = arith.constant dense<0x7F800000> : vector<32xf32>
    %reduce_min3A_25 = vector.multi_reduction <minimumf>, %sub3A_24, %reduce_min3A [0] : vector<512x32xf32> to vector<32xf32>
    %broadcast_in_dim3A_26 = vector.shape_cast %reduce_min3A_25 : vector<32xf32> to vector<1x32xf32>
    %iota3A = tpu.iota {dimensions = array<i32: 0>} : vector<512x32xi32>
    %eq3A_27 = vector.broadcast %broadcast_in_dim3A_26 : vector<1x32xf32> to vector<512x32xf32>
    %eq3A_28 = arith.cmpf oeq, %sub3A_24, %eq3A_27 : vector<512x32xf32>
    %jit3A = arith.constant 512 : i32
    %broadcast_in_dim3A_29 = vector.broadcast %jit3A : i32 to vector<512x32xi32>
    %select_n3A = arith.select %eq3A_28, %iota3A, %broadcast_in_dim3A_29 : vector<512x32xi1>, vector<512x32xi32>
    %reduce_min3A_30 = arith.constant dense<2147483647> : vector<32xi32>
    %reduce_min3A_31 = vector.multi_reduction <minsi>, %select_n3A, %reduce_min3A_30 [0] : vector<512x32xi32> to vector<32xi32>
    %broadcast_in_dim3A_32 = vector.shape_cast %reduce_min3A_31 : vector<32xi32> to vector<1x32xi32>
    %eq3A_33 = vector.broadcast %broadcast_in_dim3A_32 : vector<1x32xi32> to vector<512x32xi32>
    %eq3A_34 = arith.cmpi eq, %iota3A, %eq3A_33 : vector<512x32xi32>
    %get3A_35 = arith.constant 0 : index
    %get3A_36 = arith.constant 0 : index
    %get3A_37 = vector.load %arg3[%get3A_35, %get3A_36] : memref<512x1xi32, #tpu.memory_space<vmem>>, vector<512x1xi32>
    %jit3A_38 = arith.constant 0 : i32
    %broadcast_in_dim3A_39 = vector.shape_cast %get3A_37 : vector<512x1xi32> to vector<512x1xi32>
    %broadcast_in_dim3A_40 = vector.broadcast %broadcast_in_dim3A_39 : vector<512x1xi32> to vector<512x32xi32>
    %broadcast_in_dim3A_41 = vector.broadcast %jit3A_38 : i32 to vector<512x32xi32>
    %select_n3A_42 = arith.select %eq3A_34, %broadcast_in_dim3A_40, %broadcast_in_dim3A_41 : vector<512x32xi1>, vector<512x32xi32>
    %reduce_sum3A_43 = arith.constant dense<0> : vector<32xi32>
    %reduce_sum3A_44 = vector.multi_reduction <add>, %select_n3A_42, %reduce_sum3A_43 [0] : vector<512x32xi32> to vector<32xi32>
    %broadcast_in_dim3A_45 = vector.shape_cast %reduce_sum3A_44 : vector<32xi32> to vector<1x32xi32>
    %reshape3A = vector.shape_cast %broadcast_in_dim3A_26 : vector<1x32xf32> to vector<1x1x32xf32>
    %swap3A = arith.constant 0 : index
    %swap3A_46 = arith.constant 0 : index
    %swap3A_47 = arith.constant 0 : index
    %swap3A_48 = vector.load %arg4[%swap3A, %swap3A_46, %swap3A_47] : memref<1x1x32xf32, #tpu.memory_space<vmem>>, vector<1x1x32xf32>
    tpu.vector_store %arg4[%swap3A, %swap3A_46, %swap3A_47], %reshape3A {strides = array<i32>} : memref<1x1x32xf32, #tpu.memory_space<vmem>>, vector<1x1x32xf32>,
    %reshape3A_49 = vector.shape_cast %broadcast_in_dim3A_45 : vector<1x32xi32> to vector<1x1x32xi32>
    %swap3A_50 = arith.constant 0 : index
    %swap3A_51 = arith.constant 0 : index
    %swap3A_52 = arith.constant 0 : index
    %swap3A_53 = vector.load %arg5[%swap3A_50, %swap3A_51, %swap3A_52] : memref<1x1x32xi32, #tpu.memory_space<vmem>>, vector<1x1x32xi32>
    tpu.vector_store %arg5[%swap3A_50, %swap3A_51, %swap3A_52], %reshape3A_49 {strides = array<i32>} : memref<1x1x32xi32, #tpu.memory_space<vmem>>, vector<1x1x32xi32>,
    return
  }
  func.func @transform_0(%arg0: i32) -> (i32, i32) {
    %c0_i32 = arith.constant 0 : i32
    %c0_i32_0 = arith.constant 0 : i32
    %c0_i32_1 = arith.constant 0 : i32
    return %c0_i32, %c0_i32_0 : i32, i32
  }
  func.func @transform_1(%arg0: i32) -> (i32, i32) {
    %c0_i32 = arith.constant 0 : i32
    %c0_i32_0 = arith.constant 0 : i32
    return %arg0, %c0_i32 : i32, i32
  }
  func.func @transform_2(%arg0: i32) -> (i32, i32) {
    %c0_i32 = arith.constant 0 : i32
    %c0_i32_0 = arith.constant 0 : i32
    return %arg0, %c0_i32 : i32, i32
  }
  func.func @transform_3(%arg0: i32) -> (i32, i32, i32) {
    %c0_i32 = arith.constant 0 : i32
    %c0_i32_0 = arith.constant 0 : i32
    %c0_i32_1 = arith.constant 0 : i32
    return %arg0, %c0_i32, %c0_i32_0 : i32, i32, i32
  }
  func.func @transform_4(%arg0: i32) -> (i32, i32, i32) {
    %c0_i32 = arith.constant 0 : i32
    %c0_i32_0 = arith.constant 0 : i32
    %c0_i32_1 = arith.constant 0 : i32
    return %arg0, %c0_i32, %c0_i32_0 : i32, i32, i32
  }
}

</mosaic_0001>

<sc_bundles>
// kernel: kernel.4.cloned.1.call-start
scs
__scs_entry_jumppad:
0x0: {  	(pc) =	sbr.rel $0x88, $3  }
0x1: {  	(tag) =	ssettag $0x0;
	lr =	simm.s32 $0x1  }
0x2: {  	[smem:$0x3F9E] =	sst lr;
	_ =	strace $0xD0000000  }
0x3: {  	_ = 	snop  }
0x4: {  	_ = 	snop  }
0x5: {  	_ = 	snop  }
0x6: {  	_ = 	snop  }
0x7: {  	_ = 	snop  }
__scs_overlays_trampoline_lowered:
0x8: {  	[smem:$0x3FAD] =	sst s0  }
0x9: {  	[smem:$0x3FAE] =	sst s1  }
0xa: {  	[smem:$0x3FAF] =	sst s2  }
0xb: {  	[smem:$0x3FB0] =	sst s3  }
0xc: {  	[smem:$0x3FB1] =	sst s4  }
0xd: {  	[smem:$0x3FB2] =	sst s5  }
0xe: {  	[smem:$0x3FB3] =	sst s6  }
0xf: {  	[smem:$0x3FB4] =	sst s7  }
0x10: {  	[smem:$0x3FB5] =	sst s8  }
0x11: {  	[smem:$0x3FB6] =	sst s9;
	s0 =	simm.s32 @!p0 $0x0  }
0x12: {  	s1 =	sld [smem:$0x3F9C];
	s0 =	simm.s32 @p0 $0x1  }
0x13: {  	[smem:$0x3FB7] =	sst s0;
	s0 =	simm.s32 @!p1 $0x0  }
0x14: {  	s2 =	sld [smem:$0x3F9B];
	s0 =	simm.s32 @p1 $0x1  }
0x15: {  	[smem:$0x3FB8] =	sst s0;
	s0 =	simm.s32 @!p2 $0x0  }
0x16: {  	s3 =	sld [smem:$0x3FDB];
	s0 =	simm.s32 @p2 $0x1  }
0x17: {  	s4 =	simm.s32 $0x1BF5;
	[smem:$0x3FBA] =	sst s0  }
0x18: {  	s0 =	sld [smem:$0x3F9D];
	_ =	swait.ge [sflag:s4], $0x0  }
0x19: {  	s7 =	sld [smem:$0x3F9E]  }
0x1a: {  	s8 =	sadd.s32 $0xFFFFE003, lr  }
0x1b: {  	s9 =	sadd.s32 $0xFFFFFEF7, lr;
	s5 =	simm.s32 $0xFFFFFFFF;
	p2 =	slt.u32 s8, $0xFFFFF086  }
0x1c: {  	p1 =	slt.u32 s9, $0xF7A;
	s5 =	simm.s32 @!p2 $0x0  }
0x1d: {  	s5 =	simm.s32 @p1 $0x1;
	p0 =	seq.s32 s7, s2  }
0x1e: {  	s7 =	smul.u32 @!p0 $0xF7A, s2;
	p2 =	seq.s32 @!p0 s5, $0x0  }
0x1f: {  	s9 =	smul.u32 $0xF7A, s1;
	s8 =	simm.s32 @!p0 $0x1BF5;
	p2 =	por !p2, p0  }
0x20: {  	[sflag:s8] =	ssyncset.s32 @!p0 $0xFFFFF086;
	s6 =	sadd.s32 @!p0 s3, s7;
	s7 =	simm.s32 @!p0 $0x108  }
0x21: {  	s3 =	sadd.s32 s3, s9;
	s6 =	sadd.s32 @!p0 $0x88, s6;
	s7 =	simm.s32 @p2 $0x1082  }
0x22: {  	[simem:s7], [sflag:s8] =	dma.local @!p0 [hbm:s6], $0xF7A  }
0x23: {  	s9 =	sor.u32 $0xD0000000, s2;
	s6 =	simm.s32 $0x108;
	_ =	swait.ge @!p0 [sflag:s8], $0x0  }
0x24: {  	s3 =	sadd.s32 $0x88, s3;
	s6 =	simm.s32 @!p1 $0x1082;
	[sflag:s4] =	ssyncset.s32 $0xFFFFF086  }
0x25: {  	[simem:s6], [sflag:s4] =	dma.local [hbm:s3], $0xF7A  }
0x26: {  	[smem:$0x3F9E] =	sst s1;
	(tag) =	ssettag s2;
	_ =	strace s9  }
0x27: {  	s1 =	sld [smem:$0x3FAE]  }
0x28: {  	s2 =	sld [smem:$0x3FAF]  }
0x29: {  	s4 =	sld [smem:$0x3FB1]  }
0x2a: {  	p0 =	seq.s32 s5, $0x0;
	s5 =	sld [smem:$0x3FB2]  }
0x2b: {  	s6 =	sld [smem:$0x3FB3]  }
0x2c: {  	s7 =	sld [smem:$0x3FB4]  }
0x2d: {  	s3 =	simm.s32 $0x108;
	s8 =	sld [smem:$0x3FB5]  }
0x2e: {  	s3 =	simm.s32 @!p0 $0x1082;
	s9 =	sld [smem:$0x3FB6]  }
0x2f: {  	lr =	sadd.s32 s0, s3;
	s0 =	sld [smem:$0x3FAD]  }
0x30: {  	s3 =	sld [smem:$0x3FB0]  }
0x31: {  	[smem:$0x3FB9] =	sst s10  }
0x32: {  	s10 =	sld [smem:$0x3FB7];
	_ =	sdelay $0x3  }
0x33: {  	p0 =	seq.s32 s10, $0x1;
	s10 =	sld [smem:$0x3FB9];
	_ =	sdelay $0x3  }
0x34: {  	[smem:$0x3FB9] =	sst s10  }
0x35: {  	s10 =	sld [smem:$0x3FB8];
	_ =	sdelay $0x3  }
0x36: {  	p1 =	seq.s32 s10, $0x1;
	s10 =	sld [smem:$0x3FB9];
	_ =	sdelay $0x3  }
0x37: {  	[smem:$0x3FB9] =	sst s10  }
0x38: {  	s10 =	sld [smem:$0x3FBA]  }
0x39: {  	_ = 	snop;
	(pc) =	sbr.ind lr, $3  }
0x3a: {  	_ = 	snop  }
0x3b: {  	_ = 	snop  }
0x3c: {  	p2 =	seq.s32 s10, $0x1;
	s10 =	sld [smem:$0x3FB9]  }
0x3d: {  	_ =	shalt  }
0x3e: {  	_ =	shalt  }
0x3f: {  	_ =	shalt  }
0x40: {  	_ =	shalt  }
0x41: {  	_ =	shalt  }
0x42: {  	_ =	shalt  }
0x43: {  	_ =	shalt  }
0x44: {  	_ =	shalt  }
0x45: {  	_ =	shalt  }
0x46: {  	_ =	shalt  }
0x47: {  	_ =	shalt  }
0x48: {  	_ =	shalt  }
0x49: {  	_ =	shalt  }
0x4a: {  	_ =	shalt  }
0x4b: {  	_ =	shalt  }
0x4c: {  	_ =	shalt  }
0x4d: {  	_ =	shalt  }
0x4e: {  	_ =	shalt  }
0x4f: {  	_ =	shalt  }
0x50: {  	_ =	shalt  }
0x51: {  	_ =	shalt  }
0x52: {  	_ =	shalt  }
0x53: {  	_ =	shalt  }
0x54: {  	_ =	shalt  }
0x55: {  	_ =	shalt  }
0x56: {  	_ =	shalt  }
0x57: {  	_ =	shalt  }
0x58: {  	_ =	shalt  }
0x59: {  	_ =	shalt  }
0x5a: {  	_ =	shalt  }
0x5b: {  	_ =	shalt  }
0x5c: {  	_ =	shalt  }
0x5d: {  	_ =	shalt  }
0x5e: {  	_ =	shalt  }
0x5f: {  	_ =	shalt  }
0x60: {  	_ =	shalt  }
0x61: {  	_ =	shalt  }
0x62: {  	_ =	shalt  }
0x63: {  	_ =	shalt  }
0x64: {  	_ =	shalt  }
0x65: {  	_ =	shalt  }
0x66: {  	_ =	shalt  }
0x67: {  	_ =	shalt  }
0x68: {  	_ =	shalt  }
0x69: {  	_ =	shalt  }
0x6a: {  	_ =	shalt  }
0x6b: {  	_ =	shalt  }
0x6c: {  	_ =	shalt  }
0x6d: {  	_ =	shalt  }
0x6e: {  	_ =	shalt  }
0x6f: {  	_ =	shalt  }
0x70: {  	_ =	shalt  }
0x71: {  	_ =	shalt  }
0x72: {  	_ =	shalt  }
0x73: {  	_ =	shalt  }
0x74: {  	_ =	shalt  }
0x75: {  	_ =	shalt  }
0x76: {  	_ =	shalt  }
0x77: {  	_ =	shalt  }
0x78: {  	_ =	shalt  }
0x79: {  	_ =	shalt  }
0x7a: {  	_ =	shalt  }
0x7b: {  	_ =	shalt  }
0x7c: {  	_ =	shalt  }
0x7d: {  	_ =	shalt  }
0x7e: {  	_ =	shalt  }
0x7f: {  	_ =	shalt  }
0x80: {  	_ =	shalt  }
0x81: {  	_ =	shalt  }
0x82: {  	_ =	shalt  }
0x83: {  	_ =	shalt  }
0x84: {  	_ =	shalt  }
0x85: {  	_ =	shalt  }
0x86: {  	_ =	shalt  }
0x87: {  	_ =	shalt  }
.Lfunc_end0:
.L_simem_size_0:
called_computation_lowered:
.L_overlay_start_0:
0x88: {  	s2 =	sld [smem:$0x3FD9]  }
0x89: {  	s3 =	sld [smem:$0x3FFE];
	_ =	sdelay $0x1  }
0x8a: {  	s1 =	srdreg.scid  }
0x8b: {  	s0 =	sand.u32 $0x1, s1  }
0x8c: {  	s17 =	sshll.u32 s0, $0xA;
	s2 =	sadd.s32 s3, s2  }
0x8d: {  	s2 =	sadd.s32 s2, s17  }
0x8e: {  	[smem:$0x3FC5] =	sst s2  }
0x8f: {  	_ = 	snop  }
0x90: {  	s2 =	sld [smem:$0x3FD0];
	(tm) =	ssettm $0x1  }
0x91: {  	s18 =	sld [smem:$0x3FFB];
	_ =	sdelay $0x3  }
0x92: {  	_ =	strace s18  }
0x93: {  	s3 =	sld [smem:$0x3FFC];
	_ =	sdelay $0x3  }
0x94: {  	_ =	strace s3  }
0x95: {  	s3 =	sld [smem:$0x3FFD];
	_ =	sdelay $0x3  }
0x96: {  	_ =	strace s3  }
0x97: {  	_ =	strace $0x8FFFFFFF  }
0x98: {  	s19 =	sld [smem:$0x3FDB];
	_ =	sdelay $0x1  }
0x99: {  	s4 =	simm.s32 $_scs_section_size  }
0x9a: {  	s5 =	simm.s32 $_size__tile_overlayer_lowered;
	s6 =	simm.s32 $_tile_overlayer_lowered  }
0x9b: {  	s22 =	simm.s32 $0x1BFF;
	s21 =	sshll.u32 s6, $0x1;
	s3 =	sadd.s32 s4, s19  }
0x9c: {  	s7 =	simm.s32 $0x0;
	s20 =	sshll.u32 s5, $0x1;
	s5 =	sadd.s32 s21, s3  }
0x9d: {  	[timem:s7], [sflag:s22] =	dma.local [hbm:s5], s20  }
0x9e: {  	_ =	swait.ge [sflag:s22], s20  }
0x9f: {  	s4 =	ssub.s32 $0x0, s20;
	[sflag:s22] =	ssyncset.done $0x0  }
0xa0: {  	[sflag:s22] =	ssyncadd.s32 s4;
	_ =	sdelay $0x1  }
0xa1: {  	s23 =	simm.s32 $0x1B8B  }
0xa2: {  	_ =	swait.ge [sflag:s23], $0x1  }
0xa3: {  	[sflag:s23] =	ssyncset.done $0x0  }
0xa4: {  	s25 =	simm.s32 $0x1B8E;
	s24 =	sld [smem:$0x3FFE];
	[sflag:s23] =	ssyncadd.s32 $0xFFFFFFFF  }
0xa5: {  	s26 =	simm.s32 $execute0_lowered;
	[smem:$0x3FD2] =	sst s25  }
0xa6: {  	s5 =	sshll.u32 s26, $0x1;
	_ =	strace $0x80000046;
	[dreg:$0x1] =	wrdreg $0xFFFFFFFF  }
0xa7: {  	s28 =	simm.s32 $_size_execute0_lowered;
	s3 =	sadd.s32 s3, s5;
	[dreg:$0x0] =	wrdreg $0x0  }
0xa8: {  	s5 =	sshll.u32 s28, $0x1;
	[dreg:$0x2] =	wrdreg s3  }
0xa9: {  	[dreg:$0x3] =	wrdreg s5  }
0xaa: {  	[dreg:$0x4] =	wrdreg $0xC0  }
0xab: {  	_ =	task [dreg:s7], $0x5FFFF  }
0xac: {  	[dreg:$0x1] =	wrdreg $0xFFFFFFFF  }
0xad: {  	[dreg:$0x0] =	wrdreg $0x60  }
0xae: {  	[dreg:$0x2] =	wrdreg s24  }
0xaf: {  	[dreg:$0x3] =	wrdreg s2  }
0xb0: {  	[dreg:$0x4] =	wrdreg $0x9  }
0xb1: {  	_ =	task.clear_ibuf [dreg:s7], $0x5FFFF;
	_ =	strace $0x90000046  }
0xb2: {  	s29 =	simm.s32 $0x9;
	_ =	strace $0x80000048  }
0xb3: {  	_ =	swait.ge [sflag:s29], $0x1  }
0xb4: {  	[sflag:s29] =	ssyncadd.s32 $0xFFFFFFFF  }
0xb5: {  	_ =	strace $0x90000048  }
0xb6: {  	_ =	sfence  }
0xb7: {  	s30 =	sld [smem:$0x0];
	_ =	sdelay $0x2  }
0xb8: {  	s31 =	sshll.u32 s1, $0xD;
	s1 =	sshrl.u32 s1, $0x2  }
0xb9: {  	s3 =	sand.u32 $0x4000, s31;
	s1 =	sadd.s32 s1, s30  }
0xba: {  	s0 =	sor.u32 s3, s0;
	s1 =	sshll.u32 s1, $0x11  }
0xbb: {  	s0 =	sor.u32 s1, s0  }
0xbc: {  	s0 =	sadd.s32 $0x8F2B, s0  }
0xbd: {  	[sflag:s0] =	ssyncadd.remote.s32 $0x1  }
0xbe: {  	_ =	sfence.sel $0xFFFF  }
0xbf: {  	[dreg:$0x0] =	wrdreg $0xFFFFFFFF;
	(pc) =	sbr.abs _section_cstart, $3  }
0xc0: {  	[dreg:$0x1] =	wrdreg $0xFFFFFFFF  }
0xc1: {  	_ =	task.clear_ibuf [dreg:s7], $0x2FFFF;
	_ =	strace $0x9FFFFFFF  }
0xc2: {  	(tm) =	ssettm $0x7FFFFFFF  }
0xc3: {  	_ =	shalt  }
tec
execute0_lowered:
.L_overlay_start_1:
0x0: {  	(tag) =	ssettag $0x1  }
0x1: {  	s0 =	srdreg.scid  }
0x2: {  	s5 =	sand.u32 $0x1, s0;
	s0 =	stileid.u32  }
0x3: {  	s3 =	sor.u32 s0, s5  }
0x4: {  	p0 =	sne.s32 s3, $0x0  }
.Ltmp0:
0x5: {  	_ = 	snop;
	(pc) =	sbr.rel @p0 .LBB2_4-.Ltmp0, $4  }
0x6: {  	_ = 	snop  }
0x7: {  	s7 =	rddreg [dreg:$0x0]  }
0x8: {  	s2 =	rddreg [dreg:$0x1]  }
0x9: {  	s1 =	rddreg [dreg:$0x2];
	_ =	strace $0x80000047  }
0xa: {  	s6 =	sadd.s32 $0x1000, s7  }
0xb: {  	s4 =	simm.s32 $0x0;
	s3 =	simm.s32 $0x1;
	s5 =	ssub.s32 $0x2, s5  }
0xc: {  	[tilespmem:s4], [sflag:$0x1] =	stream.linear.gather [hbm4b:s6+s4], $0x200, $0x38;
	[tilespmem:$0x480] =	vst v63  }
0xd: {  	s9 =	sshrl.u32 s5, $0x1;
	_ =	swait.ge [sflag:s3], $0x200  }
0xe: {  	s7 =	sadd.s32 $0xE00, s7;
	s9 =	ssub.s32 s5, s9;
	[sflag:s3] =	ssyncset.done $0x0  }
0xf: {  	s8 =	simm.s32 $0x200;
	p0 =	sne.s32 s9, $0x1;
	[sflag:s3] =	ssyncadd.s32 $0xFFFFFE00  }
0x10: {  	[tilespmem:s8], [sflag:$0x1] =	stream.linear.gather [hbm4b:s7+s4], $0x200, $0x38;
	[tilespmem:$0x480] =	vst v63  }
.Ltmp1:
0x11: {  	_ =	swait.ge [sflag:s3], $0x200;
	(pc) =	sbr.rel @!p0 .LBB2_3-.Ltmp1, $4  }
0x12: {  	[sflag:s3] =	ssyncset.done $0x0  }
0x13: {  	[sflag:s3] =	ssyncadd.s32 $0xFFFFFE00  }
0x14: {  	v0 =	vld [tilespmem:$0x190]  }
0x15: {  	s5 =	simm.s32 $0x400;
	s9 =	sadd.s32 $0xFFFFFFFF, s9;
	v1 =	vld [tilespmem:$0x200]  }
.LBB2_2:
0x16: {  	p0 =	sne.s32 s9, $0x1;
	s9 =	sadd.s32 $0xFFFFFFFF, s9;
	v2 =	vld [tilespmem:$0x100]  }
0x17: {  	v3 =	vld [tilespmem:$0x110]  }
0x18: {  	v4 =	vld [tilespmem:$0x280]  }
0x19: {  	v5 =	vld [tilespmem:$0x210]  }
0x1a: {  	v6 =	vld [tilespmem:$0x290]  }
0x1b: {  	v7 =	vld [tilespmem:$0x90]  }
0x1c: {  	v8 =	vld [tilespmem:$0x0]  }
0x1d: {  	v9 =	vld [tilespmem:$0x10]  }
0x1e: {  	v10 =	vld [tilespmem:$0x80]  }
0x1f: {  	v11 =	vld [tilespmem:$0x300]  }
0x20: {  	v12 =	vld [tilespmem:$0x180]  }
0x21: {  	v13 =	vld [tilespmem:$0x310]  }
0x22: {  	vm0 =	vlt.f32 v7, v9;
	v14 =	vld [tilespmem:$0x390]  }
0x23: {  	vm1 =	vlt.f32 v10, v8;
	v15 =	vld [tilespmem:$0x380];
	v7 =	vsel vm0, v7, v9  }
0x24: {  	v5 =	vsel vm0, v6, v5;
	v8 =	vsel vm1, v10, v8;
	vm0 =	vlt.f32 v3, v7  }
0x25: {  	v1 =	vsel vm1, v4, v1;
	vm1 =	vlt.f32 v2, v8;
	v3 =	vsel vm0, v3, v7  }
0x26: {  	v2 =	vsel vm1, v2, v8;
	v4 =	vsel vm0, v13, v5;
	vm0 =	vlt.f32 v0, v3  }
0x27: {  	v0 =	vsel vm1, v11, v1;
	vm1 =	vlt.f32 v12, v2;
	v1 =	vsel vm0, v14, v4  }
0x28: {  	v0 =	vsel vm1, v15, v0;
	[tilespmem:$0x410] =	vst v1  }
0x29: {  	[tilespmem:$0x400] =	vst v0  }
0x2a: {  	[hbm4b:s2+s4] =	stream.linear.scatter [tilespmem:s5], [sflag:$0x1], $0x80, $0x38;
	[tilespmem:$0x480] =	vst v63  }
0x2b: {  	_ =	swait.ge [sflag:s3], $0x80  }
0x2c: {  	[sflag:s3] =	ssyncset.done $0x0  }
0x2d: {  	[sflag:s3] =	ssyncadd.s32 $0xFFFFFF80  }
0x2e: {  	[tilespmem:s4], [sflag:$0x1] =	stream.linear.gather [hbm4b:s6+s4], $0x200, $0x38;
	[tilespmem:$0x480] =	vst v63  }
0x2f: {  	_ =	swait.ge [sflag:s3], $0x200  }
0x30: {  	[sflag:s3] =	ssyncset.done $0x0  }
0x31: {  	[sflag:s3] =	ssyncadd.s32 $0xFFFFFE00  }
0x32: {  	[tilespmem:s8], [sflag:$0x1] =	stream.linear.gather [hbm4b:s7+s4], $0x200, $0x38;
	[tilespmem:$0x480] =	vst v63  }
.Ltmp2:
0x33: {  	_ =	swait.ge [sflag:s3], $0x200;
	(pc) =	sbr.rel @p0 .LBB2_2-.Ltmp2, $4  }
0x34: {  	[sflag:s3] =	ssyncset.done $0x0  }
0x35: {  	[sflag:s3] =	ssyncadd.s32 $0xFFFFFE00  }
0x36: {  	v0 =	vld [tilespmem:$0x190]  }
0x37: {  	v1 =	vld [tilespmem:$0x200]  }
.LBB2_3:
0x38: {  	v2 =	vld [tilespmem:$0x100]  }
0x39: {  	v3 =	vld [tilespmem:$0x110]  }
0x3a: {  	v4 =	vld [tilespmem:$0x280]  }
0x3b: {  	v5 =	vld [tilespmem:$0x210]  }
0x3c: {  	v6 =	vld [tilespmem:$0x290]  }
0x3d: {  	v7 =	vld [tilespmem:$0x90]  }
0x3e: {  	v8 =	vld [tilespmem:$0x0]  }
0x3f: {  	v9 =	vld [tilespmem:$0x10]  }
0x40: {  	v10 =	vld [tilespmem:$0x80]  }
0x41: {  	v11 =	vld [tilespmem:$0x300]  }
0x42: {  	v12 =	vld [tilespmem:$0x180]  }
0x43: {  	v13 =	vld [tilespmem:$0x310]  }
0x44: {  	v14 =	vld [tilespmem:$0x390];
	vm0 =	vlt.f32 v7, v9  }
0x45: {  	v15 =	vld [tilespmem:$0x380];
	vm1 =	vlt.f32 v10, v8;
	v7 =	vsel vm0, v7, v9  }
0x46: {  	v8 =	vsel vm1, v10, v8;
	v5 =	vsel vm0, v6, v5;
	vm12 =	vlt.f32 v3, v7  }
0x47: {  	v1 =	vsel vm1, v4, v1;
	vm13 =	vlt.f32 v2, v8;
	v3 =	vsel vm12, v3, v7  }
0x48: {  	v2 =	vsel vm13, v2, v8;
	v61 =	vsel vm12, v13, v5;
	vm14 =	vlt.f32 v0, v3  }
0x49: {  	v62 =	vsel vm13, v11, v1;
	vm15 =	vlt.f32 v12, v2;
	v63 =	vsel vm14, v14, v61  }
0x4a: {  	v0 =	vsel vm15, v15, v62;
	[tilespmem:$0x410] =	vst v63  }
0x4b: {  	[tilespmem:$0x400] =	vst v0  }
0x4c: {  	[hbm4b:s2+s4] =	stream.linear.scatter [tilespmem:s5], [sflag:$0x1], $0x80, $0x38;
	[tilespmem:$0x480] =	vst v63  }
0x4d: {  	_ =	swait.ge [sflag:s3], $0x80  }
0x4e: {  	[sflag:s3] =	ssyncset.done $0x0  }
0x4f: {  	[sflag:s3] =	ssyncadd.s32 $0xFFFFFF80  }
.LBB2_4:
0x50: {  	_ =	sfence.sel $0x180000  }
0x51: {  	[bflag:$0x0] =	sbarrier.arrive $0xFFFF  }
0x52: {  	p0 =	sne.s32 s0, $0x0;
	_ =	strace $0x90000047  }
0x53: {  	s0 =	sadd.s32 @!p0 $0x100000, s1;
	[bflag:$0x2] =	sbarrier.arrive $0xFFFF  }
0x54: {  	[sflag:s0] =	ssyncadd.tile.s32 @!p0 $0x1;
	_ =	shalt  }
.Lfunc_end2:
_tile_overlayer_lowered:
.L_overlay_start_2:
0x55: {  	(tag) =	ssettag $0x2  }
0x56: {  	s0 =	rddreg [dreg:$0x0];
	s2 =	stileid.u32  }
0x57: {  	s1 =	rddreg [dreg:$0x1];
	p0 =	sne.s32 s2, $0x0  }
0x58: {  	s3 =	rddreg [dreg:$0x2];
	[bflag:$0x3] =	sbarrier.arrive $0xFFFF;
	s2 =	simm.s32 @!p0 $0x1C01  }
0x59: {  	[timem:s3], [sflag:s2] =	dma.local @!p0 [hbm:s0], s1  }
0x5a: {  	s0 =	simm.s32 @!p0 $0x1  }
0x5b: {  	_ =	swait.ge @!p0 [sflag:s0], s1  }
0x5c: {  	s1 =	ssub.s32 @!p0 $0x0, s1;
	[sflag:s0] =	ssyncset.done @!p0 $0x0  }
0x5d: {  	[sflag:s0] =	ssyncadd.s32 @!p0 s1  }
0x5e: {  	[bflag:$0x3] =	sbarrier.arrive $0xFFFF  }
0x5f: {  	_ =	shalt  }

</sc_bundles>
